<compile_context>
chip_gen: v7x
topology: tpu7x:2x2x1
jax: 0.10.2.dev20260603
libtpu: 0.0.44.dev20260713+nightly
codegen_flags: <defaults>
</compile_context>

<pallas_src>
import jax
import jax.numpy as jnp
from jax import lax
from jax.experimental import pallas as pl
from jax.experimental.pallas import tpu as pltpu
from jax.experimental.pallas import tpu_sc as plsc

BATCH = 16384
NFIX = 100

_NC = 2
_NS = 16
_NW = _NC * _NS
_BPW = BATCH // _NW
_CHUNK = 128
_NCHUNK = _BPW // _CHUNK


def _sc_gather_body(idx_hbm, table_hbm, out_hbm, idx_v, vals_v, isems, gsem):
    wid = lax.axis_index("c") * _NS + lax.axis_index("s")
    base = wid * _BPW
    idx_copies = [
        pltpu.async_copy(idx_hbm.at[pl.ds(base + j * _CHUNK, _CHUNK)],
                         idx_v.at[pl.ds(j * _CHUNK, _CHUNK)], isems.at[j])
        for j in range(_NCHUNK)
    ]
    gathers = []
    for j in range(_NCHUNK):
        idx_copies[j].wait()
        gathers.append(
            pltpu.async_copy(
                table_hbm.at[idx_v.at[pl.ds(j * _CHUNK, _CHUNK)]],
                vals_v.at[pl.ds(j * _CHUNK, _CHUNK)], isems.at[j]))
    wbs = []
    for j in range(_NCHUNK):
        gathers[j].wait()
        wbs.append(
            pltpu.async_copy(vals_v.at[pl.ds(j * _CHUNK, _CHUNK)],
                             out_hbm.at[pl.ds(base + j * _CHUNK, _CHUNK)],
                             gsem))
    for w in wbs:
        w.wait()


def _sc_gather(idx, table):
    mesh = plsc.VectorSubcoreMesh(core_axis_name="c", subcore_axis_name="s")
    return pl.kernel(
        _sc_gather_body,
        out_type=jax.ShapeDtypeStruct((BATCH,), jnp.float32),
        mesh=mesh,
        scratch_types=[
            pltpu.VMEM((_BPW,), jnp.int32),
            pltpu.VMEM((_BPW,), jnp.float32),
            pltpu.SemaphoreType.DMA((_NCHUNK,)),
            pltpu.SemaphoreType.DMA,
        ],
    )(idx, table)


_BLK = 8192


def _mv_body(xt_ref, w_ref, b_ref, o_ref):
    s = lax.dot_general(w_ref[...], xt_ref[...], (((1,), (0,)), ((), ())),
                        preferred_element_type=jnp.float32)
    o_ref[...] = s + b_ref[0]


def _add_body(f_ref, r_ref, o_ref):
    o_ref[...] = f_ref[...] + r_ref[...]


def kernel(X_fixed, sample_indices, W, b, random_effects):
    r = _sc_gather(sample_indices, random_effects)
    xt = X_fixed.T
    fixed = pl.pallas_call(
        _mv_body,
        grid=(BATCH // _BLK,),
        in_specs=[
            pl.BlockSpec((NFIX, _BLK), lambda i: (0, i)),
            pl.BlockSpec((1, NFIX), lambda i: (0, 0)),
            pl.BlockSpec(memory_space=pltpu.SMEM),
        ],
        out_specs=pl.BlockSpec((1, _BLK), lambda i: (0, i)),
        out_shape=jax.ShapeDtypeStruct((1, BATCH), jnp.float32),
    )(xt, W, b)
    out = pl.pallas_call(
        _add_body,
        in_specs=[
            pl.BlockSpec((1, BATCH), lambda: (0, 0)),
            pl.BlockSpec((1, BATCH), lambda: (0, 0)),
        ],
        out_specs=pl.BlockSpec((1, BATCH), lambda: (0, 0)),
        out_shape=jax.ShapeDtypeStruct((1, BATCH), jnp.float32),
        input_output_aliases={0: 0},
    )(fixed, r.reshape(1, BATCH))
    return out.reshape(BATCH)

# --- scband reference (transcript-rebuilt; emitter-appended) ---
"""Pipeline reference for scband-linear-mixed-model-188978561492 (READ-ONLY COPY).

The authoritative reference and input builder live on the scoring server;
editing this copy changes nothing except your own understanding.
"""

import jax, jax.numpy as jnp
import numpy as np

BATCH = 16384
N_FIXED = 100
N_RANDOM = 1000000

def setup_inputs(seed: int = 0) -> dict:
    key = jax.random.key(seed)
    k1, k2, k3, k4, k5 = jax.random.split(key, 5)
    X_fixed = jax.random.normal(k1, (BATCH, N_FIXED), dtype=jnp.float32)
    sample_indices = jax.random.randint(k2, (BATCH,), 0, N_RANDOM, dtype=jnp.int64 if jax.config.jax_enable_x64 else jnp.int32)
    # learned parameters
    bound = 1.0 / np.sqrt(N_FIXED)
    W = jax.random.uniform(k3, (1, N_FIXED), minval=-bound, maxval=bound, dtype=jnp.float32)
    b = jax.random.uniform(k4, (1,), minval=-bound, maxval=bound, dtype=jnp.float32)
    random_effects = jnp.zeros((N_RANDOM,), dtype=jnp.float32)
    return {"X_fixed": X_fixed, "sample_indices": sample_indices, "W": W, "b": b, "random_effects": random_effects}

def reference(X_fixed, sample_indices, W, b, random_effects):
    # fixed = Linear(n_fixed, 1)(X_fixed).squeeze(-1)
    fixed = (X_fixed @ W.T + b)[:, 0]
    # random = random_effects[sample_indices]  (embedding lookup)
    random = jnp.take(random_effects, sample_indices, axis=0)
    return fixed + random

if __name__ == "__main__":
    import jax
    _d = setup_inputs()
    print(jax.jit(kernel)(*tuple(_d.values())))

</pallas_src>

<mosaic_0001>
#map = affine_map<(d0, d1) -> (0)>
module attributes {stable_mosaic.version = 14 : i64} {
  func.func @_sc_gather_body(%arg0: i32, %arg1: i32, %arg2: memref<16384xi32, #tpu.memory_space<hbm>>, %arg3: memref<1000000xf32, #tpu.memory_space<hbm>>, %arg4: memref<16384xf32, #tpu.memory_space<hbm>>, %arg5: memref<512xi32, #tpu.memory_space<vmem>>, %arg6: memref<512xf32, #tpu.memory_space<vmem>>, %arg7: memref<4x!tpu.dma_semaphore, #tpu.memory_space<semaphore_mem>>, %arg8: memref<!tpu.dma_semaphore, #tpu.memory_space<semaphore_mem>>) attributes {dimension_semantics = [#tpu.dimension_semantics<core_parallel>, #tpu.dimension_semantics<subcore_parallel>], iteration_bounds = array<i64: 2, 16>, scalar_prefetch = 0 : i64, scratch_operands = 4 : i64, tpu.core_type = #tpu.core_type<sc_vector_subcore>, window_params = [{transform_indices = #map}, {transform_indices = #map}, {transform_indices = #map}]} {
    %mul3A = arith.constant 16 : i32
    %mul3A_0 = arith.muli %arg0, %mul3A : i32
    %add3A = arith.addi %mul3A_0, %arg1 : i32
    %mul3A_1 = arith.constant 512 : i32
    %mul3A_2 = arith.muli %add3A, %mul3A_1 : i32
    %add3A_3 = arith.constant 0 : i32
    %add3A_4 = arith.addi %mul3A_2, %add3A_3 : i32
    %dma_start3A = arith.constant 0 : i32
    %dma_start3A_5 = arith.constant 0 : i32
    %dma_start3A_6 = tpu.memref_slice %arg5[%dma_start3A_5] : memref<512xi32, #tpu.memory_space<vmem>> -> memref<128xi32, #tpu.memory_space<vmem>>
    %dma_start3A_7 = tpu.memref_slice %arg2[%add3A_4] : memref<16384xi32, #tpu.memory_space<hbm>> -> memref<128xi32, #tpu.memory_space<hbm>>
    %dma_start3A_8 = tpu.memref_slice %arg7[%dma_start3A] : memref<4x!tpu.dma_semaphore, #tpu.memory_space<semaphore_mem>> -> memref<1x!tpu.dma_semaphore, #tpu.memory_space<semaphore_mem>>
    %dma_start3A_9 = tpu.memref_squeeze %dma_start3A_8 : memref<1x!tpu.dma_semaphore, #tpu.memory_space<semaphore_mem>> -> memref<!tpu.dma_semaphore, #tpu.memory_space<semaphore_mem>>
    %dma_start3A_10 = arith.constant 0 : i32
    %dma_start3A_11 = tpu.memref_slice %arg5[%dma_start3A_10] : memref<512xi32, #tpu.memory_space<vmem>> -> memref<128xi32, #tpu.memory_space<vmem>>
    %dma_start3A_12 = tpu.memref_slice %arg2[%add3A_4] : memref<16384xi32, #tpu.memory_space<hbm>> -> memref<128xi32, #tpu.memory_space<hbm>>
    tpu.enqueue_dma source(%dma_start3A_12 : memref<128xi32, #tpu.memory_space<hbm>>) target(%dma_start3A_11 : memref<128xi32, #tpu.memory_space<vmem>>) target_semaphore(%dma_start3A_9 : memref<!tpu.dma_semaphore, #tpu.memory_space<semaphore_mem>>)
    %add3A_13 = arith.constant 128 : i32
    %add3A_14 = arith.addi %mul3A_2, %add3A_13 : i32
    %dma_start3A_15 = arith.constant 1 : i32
    %dma_start3A_16 = arith.constant 128 : i32
    %dma_start3A_17 = tpu.memref_slice %arg5[%dma_start3A_16] : memref<512xi32, #tpu.memory_space<vmem>> -> memref<128xi32, #tpu.memory_space<vmem>>
    %dma_start3A_18 = tpu.memref_slice %arg2[%add3A_14] : memref<16384xi32, #tpu.memory_space<hbm>> -> memref<128xi32, #tpu.memory_space<hbm>>
    %dma_start3A_19 = tpu.memref_slice %arg7[%dma_start3A_15] : memref<4x!tpu.dma_semaphore, #tpu.memory_space<semaphore_mem>> -> memref<1x!tpu.dma_semaphore, #tpu.memory_space<semaphore_mem>>
    %dma_start3A_20 = tpu.memref_squeeze %dma_start3A_19 : memref<1x!tpu.dma_semaphore, #tpu.memory_space<semaphore_mem>> -> memref<!tpu.dma_semaphore, #tpu.memory_space<semaphore_mem>>
    %dma_start3A_21 = arith.constant 128 : i32
    %dma_start3A_22 = tpu.memref_slice %arg5[%dma_start3A_21] : memref<512xi32, #tpu.memory_space<vmem>> -> memref<128xi32, #tpu.memory_space<vmem>>
    %dma_start3A_23 = tpu.memref_slice %arg2[%add3A_14] : memref<16384xi32, #tpu.memory_space<hbm>> -> memref<128xi32, #tpu.memory_space<hbm>>
    tpu.enqueue_dma source(%dma_start3A_23 : memref<128xi32, #tpu.memory_space<hbm>>) target(%dma_start3A_22 : memref<128xi32, #tpu.memory_space<vmem>>) target_semaphore(%dma_start3A_20 : memref<!tpu.dma_semaphore, #tpu.memory_space<semaphore_mem>>)
    %add3A_24 = arith.constant 256 : i32
    %add3A_25 = arith.addi %mul3A_2, %add3A_24 : i32
    %dma_start3A_26 = arith.constant 2 : i32
    %dma_start3A_27 = arith.constant 256 : i32
    %dma_start3A_28 = tpu.memref_slice %arg5[%dma_start3A_27] : memref<512xi32, #tpu.memory_space<vmem>> -> memref<128xi32, #tpu.memory_space<vmem>>
    %dma_start3A_29 = tpu.memref_slice %arg2[%add3A_25] : memref<16384xi32, #tpu.memory_space<hbm>> -> memref<128xi32, #tpu.memory_space<hbm>>
    %dma_start3A_30 = tpu.memref_slice %arg7[%dma_start3A_26] : memref<4x!tpu.dma_semaphore, #tpu.memory_space<semaphore_mem>> -> memref<1x!tpu.dma_semaphore, #tpu.memory_space<semaphore_mem>>
    %dma_start3A_31 = tpu.memref_squeeze %dma_start3A_30 : memref<1x!tpu.dma_semaphore, #tpu.memory_space<semaphore_mem>> -> memref<!tpu.dma_semaphore, #tpu.memory_space<semaphore_mem>>
    %dma_start3A_32 = arith.constant 256 : i32
    %dma_start3A_33 = tpu.memref_slice %arg5[%dma_start3A_32] : memref<512xi32, #tpu.memory_space<vmem>> -> memref<128xi32, #tpu.memory_space<vmem>>
    %dma_start3A_34 = tpu.memref_slice %arg2[%add3A_25] : memref<16384xi32, #tpu.memory_space<hbm>> -> memref<128xi32, #tpu.memory_space<hbm>>
    tpu.enqueue_dma source(%dma_start3A_34 : memref<128xi32, #tpu.memory_space<hbm>>) target(%dma_start3A_33 : memref<128xi32, #tpu.memory_space<vmem>>) target_semaphore(%dma_start3A_31 : memref<!tpu.dma_semaphore, #tpu.memory_space<semaphore_mem>>)
    %add3A_35 = arith.constant 384 : i32
    %add3A_36 = arith.addi %mul3A_2, %add3A_35 : i32
    %dma_start3A_37 = arith.constant 3 : i32
    %dma_start3A_38 = arith.constant 384 : i32
    %dma_start3A_39 = tpu.memref_slice %arg5[%dma_start3A_38] : memref<512xi32, #tpu.memory_space<vmem>> -> memref<128xi32, #tpu.memory_space<vmem>>
    %dma_start3A_40 = tpu.memref_slice %arg2[%add3A_36] : memref<16384xi32, #tpu.memory_space<hbm>> -> memref<128xi32, #tpu.memory_space<hbm>>
    %dma_start3A_41 = tpu.memref_slice %arg7[%dma_start3A_37] : memref<4x!tpu.dma_semaphore, #tpu.memory_space<semaphore_mem>> -> memref<1x!tpu.dma_semaphore, #tpu.memory_space<semaphore_mem>>
    %dma_start3A_42 = tpu.memref_squeeze %dma_start3A_41 : memref<1x!tpu.dma_semaphore, #tpu.memory_space<semaphore_mem>> -> memref<!tpu.dma_semaphore, #tpu.memory_space<semaphore_mem>>
    %dma_start3A_43 = arith.constant 384 : i32
    %dma_start3A_44 = tpu.memref_slice %arg5[%dma_start3A_43] : memref<512xi32, #tpu.memory_space<vmem>> -> memref<128xi32, #tpu.memory_space<vmem>>
    %dma_start3A_45 = tpu.memref_slice %arg2[%add3A_36] : memref<16384xi32, #tpu.memory_space<hbm>> -> memref<128xi32, #tpu.memory_space<hbm>>
    tpu.enqueue_dma source(%dma_start3A_45 : memref<128xi32, #tpu.memory_space<hbm>>) target(%dma_start3A_44 : memref<128xi32, #tpu.memory_space<vmem>>) target_semaphore(%dma_start3A_42 : memref<!tpu.dma_semaphore, #tpu.memory_space<semaphore_mem>>)
    %dma_wait3A = arith.constant 0 : i32
    %dma_wait3A_46 = arith.constant 0 : i32
    %dma_wait3A_47 = tpu.memref_slice %arg5[%dma_wait3A_46] : memref<512xi32, #tpu.memory_space<vmem>> -> memref<128xi32, #tpu.memory_space<vmem>>
    %dma_wait3A_48 = tpu.memref_slice %arg2[%add3A_4] : memref<16384xi32, #tpu.memory_space<hbm>> -> memref<128xi32, #tpu.memory_space<hbm>>
    %dma_wait3A_49 = tpu.memref_slice %arg7[%dma_wait3A] : memref<4x!tpu.dma_semaphore, #tpu.memory_space<semaphore_mem>> -> memref<1x!tpu.dma_semaphore, #tpu.memory_space<semaphore_mem>>
    %dma_wait3A_50 = tpu.memref_squeeze %dma_wait3A_49 : memref<1x!tpu.dma_semaphore, #tpu.memory_space<semaphore_mem>> -> memref<!tpu.dma_semaphore, #tpu.memory_space<semaphore_mem>>
    %dma_wait3A_51 = arith.constant 0 : i32
    %dma_wait3A_52 = tpu.memref_slice %arg5[%dma_wait3A_51] : memref<512xi32, #tpu.memory_space<vmem>> -> memref<128xi32, #tpu.memory_space<vmem>>
    %dma_wait3A_53 = tpu.memref_slice %arg2[%add3A_4] : memref<16384xi32, #tpu.memory_space<hbm>> -> memref<128xi32, #tpu.memory_space<hbm>>
    tpu.wait_dma2 semaphore(%dma_wait3A_50 : memref<!tpu.dma_semaphore, #tpu.memory_space<semaphore_mem>>) src(%dma_wait3A_53 : memref<128xi32, #tpu.memory_space<hbm>>) dst(%dma_wait3A_52 : memref<128xi32, #tpu.memory_space<vmem>>)
    %dma_start3A_54 = arith.constant 0 : i32
    %dma_start3A_55 = arith.constant 0 : i32
    %dma_start3A_56 = tpu.memref_slice %arg6[%dma_start3A_55] : memref<512xf32, #tpu.memory_space<vmem>> -> memref<128xf32, #tpu.memory_space<vmem>>
    %dma_start3A_57 = arith.constant 0 : i32
    %dma_start3A_58 = tpu.memref_slice %arg5[%dma_start3A_57] : memref<512xi32, #tpu.memory_space<vmem>> -> memref<128xi32, #tpu.memory_space<vmem>>
    %dma_start3A_59 = arith.constant 0 : i32
    %dma_start3A_60 = tpu.memref_slice %arg3[%dma_start3A_59] : memref<1000000xf32, #tpu.memory_space<hbm>> -> memref<1000000xf32, #tpu.memory_space<hbm>>
    %dma_start3A_61 = tpu.memref_slice %arg7[%dma_start3A_54] : memref<4x!tpu.dma_semaphore, #tpu.memory_space<semaphore_mem>> -> memref<1x!tpu.dma_semaphore, #tpu.memory_space<semaphore_mem>>
    %dma_start3A_62 = tpu.memref_squeeze %dma_start3A_61 : memref<1x!tpu.dma_semaphore, #tpu.memory_space<semaphore_mem>> -> memref<!tpu.dma_semaphore, #tpu.memory_space<semaphore_mem>>
    tpu.enqueue_indirect_dma source(%dma_start3A_60 : memref<1000000xf32, #tpu.memory_space<hbm>>) target(%dma_start3A_56 : memref<128xf32, #tpu.memory_space<vmem>>) offsets(%dma_start3A_58 : memref<128xi32, #tpu.memory_space<vmem>>) semaphore(%dma_start3A_62 : memref<!tpu.dma_semaphore, #tpu.memory_space<semaphore_mem>>)
    %dma_wait3A_63 = arith.constant 1 : i32
    %dma_wait3A_64 = arith.constant 128 : i32
    %dma_wait3A_65 = tpu.memref_slice %arg5[%dma_wait3A_64] : memref<512xi32, #tpu.memory_space<vmem>> -> memref<128xi32, #tpu.memory_space<vmem>>
    %dma_wait3A_66 = tpu.memref_slice %arg2[%add3A_14] : memref<16384xi32, #tpu.memory_space<hbm>> -> memref<128xi32, #tpu.memory_space<hbm>>
    %dma_wait3A_67 = tpu.memref_slice %arg7[%dma_wait3A_63] : memref<4x!tpu.dma_semaphore, #tpu.memory_space<semaphore_mem>> -> memref<1x!tpu.dma_semaphore, #tpu.memory_space<semaphore_mem>>
    %dma_wait3A_68 = tpu.memref_squeeze %dma_wait3A_67 : memref<1x!tpu.dma_semaphore, #tpu.memory_space<semaphore_mem>> -> memref<!tpu.dma_semaphore, #tpu.memory_space<semaphore_mem>>
    %dma_wait3A_69 = arith.constant 128 : i32
    %dma_wait3A_70 = tpu.memref_slice %arg5[%dma_wait3A_69] : memref<512xi32, #tpu.memory_space<vmem>> -> memref<128xi32, #tpu.memory_space<vmem>>
    %dma_wait3A_71 = tpu.memref_slice %arg2[%add3A_14] : memref<16384xi32, #tpu.memory_space<hbm>> -> memref<128xi32, #tpu.memory_space<hbm>>
    tpu.wait_dma2 semaphore(%dma_wait3A_68 : memref<!tpu.dma_semaphore, #tpu.memory_space<semaphore_mem>>) src(%dma_wait3A_71 : memref<128xi32, #tpu.memory_space<hbm>>) dst(%dma_wait3A_70 : memref<128xi32, #tpu.memory_space<vmem>>)
    %dma_start3A_72 = arith.constant 1 : i32
    %dma_start3A_73 = arith.constant 128 : i32
    %dma_start3A_74 = tpu.memref_slice %arg6[%dma_start3A_73] : memref<512xf32, #tpu.memory_space<vmem>> -> memref<128xf32, #tpu.memory_space<vmem>>
    %dma_start3A_75 = arith.constant 128 : i32
    %dma_start3A_76 = tpu.memref_slice %arg5[%dma_start3A_75] : memref<512xi32, #tpu.memory_space<vmem>> -> memref<128xi32, #tpu.memory_space<vmem>>
    %dma_start3A_77 = arith.constant 0 : i32
    %dma_start3A_78 = tpu.memref_slice %arg3[%dma_start3A_77] : memref<1000000xf32, #tpu.memory_space<hbm>> -> memref<1000000xf32, #tpu.memory_space<hbm>>
    %dma_start3A_79 = tpu.memref_slice %arg7[%dma_start3A_72] : memref<4x!tpu.dma_semaphore, #tpu.memory_space<semaphore_mem>> -> memref<1x!tpu.dma_semaphore, #tpu.memory_space<semaphore_mem>>
    %dma_start3A_80 = tpu.memref_squeeze %dma_start3A_79 : memref<1x!tpu.dma_semaphore, #tpu.memory_space<semaphore_mem>> -> memref<!tpu.dma_semaphore, #tpu.memory_space<semaphore_mem>>
    tpu.enqueue_indirect_dma source(%dma_start3A_78 : memref<1000000xf32, #tpu.memory_space<hbm>>) target(%dma_start3A_74 : memref<128xf32, #tpu.memory_space<vmem>>) offsets(%dma_start3A_76 : memref<128xi32, #tpu.memory_space<vmem>>) semaphore(%dma_start3A_80 : memref<!tpu.dma_semaphore, #tpu.memory_space<semaphore_mem>>)
    %dma_wait3A_81 = arith.constant 2 : i32
    %dma_wait3A_82 = arith.constant 256 : i32
    %dma_wait3A_83 = tpu.memref_slice %arg5[%dma_wait3A_82] : memref<512xi32, #tpu.memory_space<vmem>> -> memref<128xi32, #tpu.memory_space<vmem>>
    %dma_wait3A_84 = tpu.memref_slice %arg2[%add3A_25] : memref<16384xi32, #tpu.memory_space<hbm>> -> memref<128xi32, #tpu.memory_space<hbm>>
    %dma_wait3A_85 = tpu.memref_slice %arg7[%dma_wait3A_81] : memref<4x!tpu.dma_semaphore, #tpu.memory_space<semaphore_mem>> -> memref<1x!tpu.dma_semaphore, #tpu.memory_space<semaphore_mem>>
    %dma_wait3A_86 = tpu.memref_squeeze %dma_wait3A_85 : memref<1x!tpu.dma_semaphore, #tpu.memory_space<semaphore_mem>> -> memref<!tpu.dma_semaphore, #tpu.memory_space<semaphore_mem>>
    %dma_wait3A_87 = arith.constant 256 : i32
    %dma_wait3A_88 = tpu.memref_slice %arg5[%dma_wait3A_87] : memref<512xi32, #tpu.memory_space<vmem>> -> memref<128xi32, #tpu.memory_space<vmem>>
    %dma_wait3A_89 = tpu.memref_slice %arg2[%add3A_25] : memref<16384xi32, #tpu.memory_space<hbm>> -> memref<128xi32, #tpu.memory_space<hbm>>
    tpu.wait_dma2 semaphore(%dma_wait3A_86 : memref<!tpu.dma_semaphore, #tpu.memory_space<semaphore_mem>>) src(%dma_wait3A_89 : memref<128xi32, #tpu.memory_space<hbm>>) dst(%dma_wait3A_88 : memref<128xi32, #tpu.memory_space<vmem>>)
    %dma_start3A_90 = arith.constant 2 : i32
    %dma_start3A_91 = arith.constant 256 : i32
    %dma_start3A_92 = tpu.memref_slice %arg6[%dma_start3A_91] : memref<512xf32, #tpu.memory_space<vmem>> -> memref<128xf32, #tpu.memory_space<vmem>>
    %dma_start3A_93 = arith.constant 256 : i32
    %dma_start3A_94 = tpu.memref_slice %arg5[%dma_start3A_93] : memref<512xi32, #tpu.memory_space<vmem>> -> memref<128xi32, #tpu.memory_space<vmem>>
    %dma_start3A_95 = arith.constant 0 : i32
    %dma_start3A_96 = tpu.memref_slice %arg3[%dma_start3A_95] : memref<1000000xf32, #tpu.memory_space<hbm>> -> memref<1000000xf32, #tpu.memory_space<hbm>>
    %dma_start3A_97 = tpu.memref_slice %arg7[%dma_start3A_90] : memref<4x!tpu.dma_semaphore, #tpu.memory_space<semaphore_mem>> -> memref<1x!tpu.dma_semaphore, #tpu.memory_space<semaphore_mem>>
    %dma_start3A_98 = tpu.memref_squeeze %dma_start3A_97 : memref<1x!tpu.dma_semaphore, #tpu.memory_space<semaphore_mem>> -> memref<!tpu.dma_semaphore, #tpu.memory_space<semaphore_mem>>
    tpu.enqueue_indirect_dma source(%dma_start3A_96 : memref<1000000xf32, #tpu.memory_space<hbm>>) target(%dma_start3A_92 : memref<128xf32, #tpu.memory_space<vmem>>) offsets(%dma_start3A_94 : memref<128xi32, #tpu.memory_space<vmem>>) semaphore(%dma_start3A_98 : memref<!tpu.dma_semaphore, #tpu.memory_space<semaphore_mem>>)
    %dma_wait3A_99 = arith.constant 3 : i32
    %dma_wait3A_100 = arith.constant 384 : i32
    %dma_wait3A_101 = tpu.memref_slice %arg5[%dma_wait3A_100] : memref<512xi32, #tpu.memory_space<vmem>> -> memref<128xi32, #tpu.memory_space<vmem>>
    %dma_wait3A_102 = tpu.memref_slice %arg2[%add3A_36] : memref<16384xi32, #tpu.memory_space<hbm>> -> memref<128xi32, #tpu.memory_space<hbm>>
    %dma_wait3A_103 = tpu.memref_slice %arg7[%dma_wait3A_99] : memref<4x!tpu.dma_semaphore, #tpu.memory_space<semaphore_mem>> -> memref<1x!tpu.dma_semaphore, #tpu.memory_space<semaphore_mem>>
    %dma_wait3A_104 = tpu.memref_squeeze %dma_wait3A_103 : memref<1x!tpu.dma_semaphore, #tpu.memory_space<semaphore_mem>> -> memref<!tpu.dma_semaphore, #tpu.memory_space<semaphore_mem>>
    %dma_wait3A_105 = arith.constant 384 : i32
    %dma_wait3A_106 = tpu.memref_slice %arg5[%dma_wait3A_105] : memref<512xi32, #tpu.memory_space<vmem>> -> memref<128xi32, #tpu.memory_space<vmem>>
    %dma_wait3A_107 = tpu.memref_slice %arg2[%add3A_36] : memref<16384xi32, #tpu.memory_space<hbm>> -> memref<128xi32, #tpu.memory_space<hbm>>
    tpu.wait_dma2 semaphore(%dma_wait3A_104 : memref<!tpu.dma_semaphore, #tpu.memory_space<semaphore_mem>>) src(%dma_wait3A_107 : memref<128xi32, #tpu.memory_space<hbm>>) dst(%dma_wait3A_106 : memref<128xi32, #tpu.memory_space<vmem>>)
    %dma_start3A_108 = arith.constant 3 : i32
    %dma_start3A_109 = arith.constant 384 : i32
    %dma_start3A_110 = tpu.memref_slice %arg6[%dma_start3A_109] : memref<512xf32, #tpu.memory_space<vmem>> -> memref<128xf32, #tpu.memory_space<vmem>>
    %dma_start3A_111 = arith.constant 384 : i32
    %dma_start3A_112 = tpu.memref_slice %arg5[%dma_start3A_111] : memref<512xi32, #tpu.memory_space<vmem>> -> memref<128xi32, #tpu.memory_space<vmem>>
    %dma_start3A_113 = arith.constant 0 : i32
    %dma_start3A_114 = tpu.memref_slice %arg3[%dma_start3A_113] : memref<1000000xf32, #tpu.memory_space<hbm>> -> memref<1000000xf32, #tpu.memory_space<hbm>>
    %dma_start3A_115 = tpu.memref_slice %arg7[%dma_start3A_108] : memref<4x!tpu.dma_semaphore, #tpu.memory_space<semaphore_mem>> -> memref<1x!tpu.dma_semaphore, #tpu.memory_space<semaphore_mem>>
    %dma_start3A_116 = tpu.memref_squeeze %dma_start3A_115 : memref<1x!tpu.dma_semaphore, #tpu.memory_space<semaphore_mem>> -> memref<!tpu.dma_semaphore, #tpu.memory_space<semaphore_mem>>
    tpu.enqueue_indirect_dma source(%dma_start3A_114 : memref<1000000xf32, #tpu.memory_space<hbm>>) target(%dma_start3A_110 : memref<128xf32, #tpu.memory_space<vmem>>) offsets(%dma_start3A_112 : memref<128xi32, #tpu.memory_space<vmem>>) semaphore(%dma_start3A_116 : memref<!tpu.dma_semaphore, #tpu.memory_space<semaphore_mem>>)
    %dma_wait3A_117 = arith.constant 0 : i32
    %dma_wait3A_118 = arith.constant 0 : i32
    %dma_wait3A_119 = tpu.memref_slice %arg6[%dma_wait3A_118] : memref<512xf32, #tpu.memory_space<vmem>> -> memref<128xf32, #tpu.memory_space<vmem>>
    %dma_wait3A_120 = arith.constant 0 : i32
    %dma_wait3A_121 = tpu.memref_slice %arg5[%dma_wait3A_120] : memref<512xi32, #tpu.memory_space<vmem>> -> memref<128xi32, #tpu.memory_space<vmem>>
    %dma_wait3A_122 = arith.constant 0 : i32
    %dma_wait3A_123 = tpu.memref_slice %arg3[%dma_wait3A_122] : memref<1000000xf32, #tpu.memory_space<hbm>> -> memref<1000000xf32, #tpu.memory_space<hbm>>
    %dma_wait3A_124 = tpu.memref_slice %arg7[%dma_wait3A_117] : memref<4x!tpu.dma_semaphore, #tpu.memory_space<semaphore_mem>> -> memref<1x!tpu.dma_semaphore, #tpu.memory_space<semaphore_mem>>
    %dma_wait3A_125 = tpu.memref_squeeze %dma_wait3A_124 : memref<1x!tpu.dma_semaphore, #tpu.memory_space<semaphore_mem>> -> memref<!tpu.dma_semaphore, #tpu.memory_space<semaphore_mem>>
    tpu.wait_indirect_dma semaphore(%dma_wait3A_125 : memref<!tpu.dma_semaphore, #tpu.memory_space<semaphore_mem>>) src(%dma_wait3A_123 : memref<1000000xf32, #tpu.memory_space<hbm>>) dst(%dma_wait3A_119 : memref<128xf32, #tpu.memory_space<vmem>>)
    %add3A_126 = arith.constant 0 : i32
    %add3A_127 = arith.addi %mul3A_2, %add3A_126 : i32
    %dma_start3A_128 = arith.constant 0 : i32
    %dma_start3A_129 = tpu.memref_slice %arg6[%dma_start3A_128] : memref<512xf32, #tpu.memory_space<vmem>> -> memref<128xf32, #tpu.memory_space<vmem>>
    %dma_start3A_130 = tpu.memref_slice %arg4[%add3A_127] : memref<16384xf32, #tpu.memory_space<hbm>> -> memref<128xf32, #tpu.memory_space<hbm>>
    %dma_start3A_131 = tpu.memref_slice %arg4[%add3A_127] : memref<16384xf32, #tpu.memory_space<hbm>> -> memref<128xf32, #tpu.memory_space<hbm>>
    %dma_start3A_132 = arith.constant 0 : i32
    %dma_start3A_133 = tpu.memref_slice %arg6[%dma_start3A_132] : memref<512xf32, #tpu.memory_space<vmem>> -> memref<128xf32, #tpu.memory_space<vmem>>
    tpu.enqueue_dma source(%dma_start3A_133 : memref<128xf32, #tpu.memory_space<vmem>>) target(%dma_start3A_131 : memref<128xf32, #tpu.memory_space<hbm>>) target_semaphore(%arg8 : memref<!tpu.dma_semaphore, #tpu.memory_space<semaphore_mem>>)
    %dma_wait3A_134 = arith.constant 1 : i32
    %dma_wait3A_135 = arith.constant 128 : i32
    %dma_wait3A_136 = tpu.memref_slice %arg6[%dma_wait3A_135] : memref<512xf32, #tpu.memory_space<vmem>> -> memref<128xf32, #tpu.memory_space<vmem>>
    %dma_wait3A_137 = arith.constant 128 : i32
    %dma_wait3A_138 = tpu.memref_slice %arg5[%dma_wait3A_137] : memref<512xi32, #tpu.memory_space<vmem>> -> memref<128xi32, #tpu.memory_space<vmem>>
    %dma_wait3A_139 = arith.constant 0 : i32
    %dma_wait3A_140 = tpu.memref_slice %arg3[%dma_wait3A_139] : memref<1000000xf32, #tpu.memory_space<hbm>> -> memref<1000000xf32, #tpu.memory_space<hbm>>
    %dma_wait3A_141 = tpu.memref_slice %arg7[%dma_wait3A_134] : memref<4x!tpu.dma_semaphore, #tpu.memory_space<semaphore_mem>> -> memref<1x!tpu.dma_semaphore, #tpu.memory_space<semaphore_mem>>
    %dma_wait3A_142 = tpu.memref_squeeze %dma_wait3A_141 : memref<1x!tpu.dma_semaphore, #tpu.memory_space<semaphore_mem>> -> memref<!tpu.dma_semaphore, #tpu.memory_space<semaphore_mem>>
    tpu.wait_indirect_dma semaphore(%dma_wait3A_142 : memref<!tpu.dma_semaphore, #tpu.memory_space<semaphore_mem>>) src(%dma_wait3A_140 : memref<1000000xf32, #tpu.memory_space<hbm>>) dst(%dma_wait3A_136 : memref<128xf32, #tpu.memory_space<vmem>>)
    %add3A_143 = arith.constant 128 : i32
    %add3A_144 = arith.addi %mul3A_2, %add3A_143 : i32
    %dma_start3A_145 = arith.constant 128 : i32
    %dma_start3A_146 = tpu.memref_slice %arg6[%dma_start3A_145] : memref<512xf32, #tpu.memory_space<vmem>> -> memref<128xf32, #tpu.memory_space<vmem>>
    %dma_start3A_147 = tpu.memref_slice %arg4[%add3A_144] : memref<16384xf32, #tpu.memory_space<hbm>> -> memref<128xf32, #tpu.memory_space<hbm>>
    %dma_start3A_148 = tpu.memref_slice %arg4[%add3A_144] : memref<16384xf32, #tpu.memory_space<hbm>> -> memref<128xf32, #tpu.memory_space<hbm>>
    %dma_start3A_149 = arith.constant 128 : i32
    %dma_start3A_150 = tpu.memref_slice %arg6[%dma_start3A_149] : memref<512xf32, #tpu.memory_space<vmem>> -> memref<128xf32, #tpu.memory_space<vmem>>
    tpu.enqueue_dma source(%dma_start3A_150 : memref<128xf32, #tpu.memory_space<vmem>>) target(%dma_start3A_148 : memref<128xf32, #tpu.memory_space<hbm>>) target_semaphore(%arg8 : memref<!tpu.dma_semaphore, #tpu.memory_space<semaphore_mem>>)
    %dma_wait3A_151 = arith.constant 2 : i32
    %dma_wait3A_152 = arith.constant 256 : i32
    %dma_wait3A_153 = tpu.memref_slice %arg6[%dma_wait3A_152] : memref<512xf32, #tpu.memory_space<vmem>> -> memref<128xf32, #tpu.memory_space<vmem>>
    %dma_wait3A_154 = arith.constant 256 : i32
    %dma_wait3A_155 = tpu.memref_slice %arg5[%dma_wait3A_154] : memref<512xi32, #tpu.memory_space<vmem>> -> memref<128xi32, #tpu.memory_space<vmem>>
    %dma_wait3A_156 = arith.constant 0 : i32
    %dma_wait3A_157 = tpu.memref_slice %arg3[%dma_wait3A_156] : memref<1000000xf32, #tpu.memory_space<hbm>> -> memref<1000000xf32, #tpu.memory_space<hbm>>
    %dma_wait3A_158 = tpu.memref_slice %arg7[%dma_wait3A_151] : memref<4x!tpu.dma_semaphore, #tpu.memory_space<semaphore_mem>> -> memref<1x!tpu.dma_semaphore, #tpu.memory_space<semaphore_mem>>
    %dma_wait3A_159 = tpu.memref_squeeze %dma_wait3A_158 : memref<1x!tpu.dma_semaphore, #tpu.memory_space<semaphore_mem>> -> memref<!tpu.dma_semaphore, #tpu.memory_space<semaphore_mem>>
    tpu.wait_indirect_dma semaphore(%dma_wait3A_159 : memref<!tpu.dma_semaphore, #tpu.memory_space<semaphore_mem>>) src(%dma_wait3A_157 : memref<1000000xf32, #tpu.memory_space<hbm>>) dst(%dma_wait3A_153 : memref<128xf32, #tpu.memory_space<vmem>>)
    %add3A_160 = arith.constant 256 : i32
    %add3A_161 = arith.addi %mul3A_2, %add3A_160 : i32
    %dma_start3A_162 = arith.constant 256 : i32
    %dma_start3A_163 = tpu.memref_slice %arg6[%dma_start3A_162] : memref<512xf32, #tpu.memory_space<vmem>> -> memref<128xf32, #tpu.memory_space<vmem>>
    %dma_start3A_164 = tpu.memref_slice %arg4[%add3A_161] : memref<16384xf32, #tpu.memory_space<hbm>> -> memref<128xf32, #tpu.memory_space<hbm>>
    %dma_start3A_165 = tpu.memref_slice %arg4[%add3A_161] : memref<16384xf32, #tpu.memory_space<hbm>> -> memref<128xf32, #tpu.memory_space<hbm>>
    %dma_start3A_166 = arith.constant 256 : i32
    %dma_start3A_167 = tpu.memref_slice %arg6[%dma_start3A_166] : memref<512xf32, #tpu.memory_space<vmem>> -> memref<128xf32, #tpu.memory_space<vmem>>
    tpu.enqueue_dma source(%dma_start3A_167 : memref<128xf32, #tpu.memory_space<vmem>>) target(%dma_start3A_165 : memref<128xf32, #tpu.memory_space<hbm>>) target_semaphore(%arg8 : memref<!tpu.dma_semaphore, #tpu.memory_space<semaphore_mem>>)
    %dma_wait3A_168 = arith.constant 3 : i32
    %dma_wait3A_169 = arith.constant 384 : i32
    %dma_wait3A_170 = tpu.memref_slice %arg6[%dma_wait3A_169] : memref<512xf32, #tpu.memory_space<vmem>> -> memref<128xf32, #tpu.memory_space<vmem>>
    %dma_wait3A_171 = arith.constant 384 : i32
    %dma_wait3A_172 = tpu.memref_slice %arg5[%dma_wait3A_171] : memref<512xi32, #tpu.memory_space<vmem>> -> memref<128xi32, #tpu.memory_space<vmem>>
    %dma_wait3A_173 = arith.constant 0 : i32
    %dma_wait3A_174 = tpu.memref_slice %arg3[%dma_wait3A_173] : memref<1000000xf32, #tpu.memory_space<hbm>> -> memref<1000000xf32, #tpu.memory_space<hbm>>
    %dma_wait3A_175 = tpu.memref_slice %arg7[%dma_wait3A_168] : memref<4x!tpu.dma_semaphore, #tpu.memory_space<semaphore_mem>> -> memref<1x!tpu.dma_semaphore, #tpu.memory_space<semaphore_mem>>
    %dma_wait3A_176 = tpu.memref_squeeze %dma_wait3A_175 : memref<1x!tpu.dma_semaphore, #tpu.memory_space<semaphore_mem>> -> memref<!tpu.dma_semaphore, #tpu.memory_space<semaphore_mem>>
    tpu.wait_indirect_dma semaphore(%dma_wait3A_176 : memref<!tpu.dma_semaphore, #tpu.memory_space<semaphore_mem>>) src(%dma_wait3A_174 : memref<1000000xf32, #tpu.memory_space<hbm>>) dst(%dma_wait3A_170 : memref<128xf32, #tpu.memory_space<vmem>>)
    %add3A_177 = arith.constant 384 : i32
    %add3A_178 = arith.addi %mul3A_2, %add3A_177 : i32
    %dma_start3A_179 = arith.constant 384 : i32
    %dma_start3A_180 = tpu.memref_slice %arg6[%dma_start3A_179] : memref<512xf32, #tpu.memory_space<vmem>> -> memref<128xf32, #tpu.memory_space<vmem>>
    %dma_start3A_181 = tpu.memref_slice %arg4[%add3A_178] : memref<16384xf32, #tpu.memory_space<hbm>> -> memref<128xf32, #tpu.memory_space<hbm>>
    %dma_start3A_182 = tpu.memref_slice %arg4[%add3A_178] : memref<16384xf32, #tpu.memory_space<hbm>> -> memref<128xf32, #tpu.memory_space<hbm>>
    %dma_start3A_183 = arith.constant 384 : i32
    %dma_start3A_184 = tpu.memref_slice %arg6[%dma_start3A_183] : memref<512xf32, #tpu.memory_space<vmem>> -> memref<128xf32, #tpu.memory_space<vmem>>
    tpu.enqueue_dma source(%dma_start3A_184 : memref<128xf32, #tpu.memory_space<vmem>>) target(%dma_start3A_182 : memref<128xf32, #tpu.memory_space<hbm>>) target_semaphore(%arg8 : memref<!tpu.dma_semaphore, #tpu.memory_space<semaphore_mem>>)
    %dma_wait3A_185 = arith.constant 0 : i32
    %dma_wait3A_186 = tpu.memref_slice %arg6[%dma_wait3A_185] : memref<512xf32, #tpu.memory_space<vmem>> -> memref<128xf32, #tpu.memory_space<vmem>>
    %dma_wait3A_187 = tpu.memref_slice %arg4[%add3A_127] : memref<16384xf32, #tpu.memory_space<hbm>> -> memref<128xf32, #tpu.memory_space<hbm>>
    %dma_wait3A_188 = tpu.memref_slice %arg4[%add3A_127] : memref<16384xf32, #tpu.memory_space<hbm>> -> memref<128xf32, #tpu.memory_space<hbm>>
    %dma_wait3A_189 = arith.constant 0 : i32
    %dma_wait3A_190 = tpu.memref_slice %arg6[%dma_wait3A_189] : memref<512xf32, #tpu.memory_space<vmem>> -> memref<128xf32, #tpu.memory_space<vmem>>
    tpu.wait_dma2 semaphore(%arg8 : memref<!tpu.dma_semaphore, #tpu.memory_space<semaphore_mem>>) src(%dma_wait3A_190 : memref<128xf32, #tpu.memory_space<vmem>>) dst(%dma_wait3A_188 : memref<128xf32, #tpu.memory_space<hbm>>)
    %dma_wait3A_191 = arith.constant 128 : i32
    %dma_wait3A_192 = tpu.memref_slice %arg6[%dma_wait3A_191] : memref<512xf32, #tpu.memory_space<vmem>> -> memref<128xf32, #tpu.memory_space<vmem>>
    %dma_wait3A_193 = tpu.memref_slice %arg4[%add3A_144] : memref<16384xf32, #tpu.memory_space<hbm>> -> memref<128xf32, #tpu.memory_space<hbm>>
    %dma_wait3A_194 = tpu.memref_slice %arg4[%add3A_144] : memref<16384xf32, #tpu.memory_space<hbm>> -> memref<128xf32, #tpu.memory_space<hbm>>
    %dma_wait3A_195 = arith.constant 128 : i32
    %dma_wait3A_196 = tpu.memref_slice %arg6[%dma_wait3A_195] : memref<512xf32, #tpu.memory_space<vmem>> -> memref<128xf32, #tpu.memory_space<vmem>>
    tpu.wait_dma2 semaphore(%arg8 : memref<!tpu.dma_semaphore, #tpu.memory_space<semaphore_mem>>) src(%dma_wait3A_196 : memref<128xf32, #tpu.memory_space<vmem>>) dst(%dma_wait3A_194 : memref<128xf32, #tpu.memory_space<hbm>>)
    %dma_wait3A_197 = arith.constant 256 : i32
    %dma_wait3A_198 = tpu.memref_slice %arg6[%dma_wait3A_197] : memref<512xf32, #tpu.memory_space<vmem>> -> memref<128xf32, #tpu.memory_space<vmem>>
    %dma_wait3A_199 = tpu.memref_slice %arg4[%add3A_161] : memref<16384xf32, #tpu.memory_space<hbm>> -> memref<128xf32, #tpu.memory_space<hbm>>
    %dma_wait3A_200 = tpu.memref_slice %arg4[%add3A_161] : memref<16384xf32, #tpu.memory_space<hbm>> -> memref<128xf32, #tpu.memory_space<hbm>>
    %dma_wait3A_201 = arith.constant 256 : i32
    %dma_wait3A_202 = tpu.memref_slice %arg6[%dma_wait3A_201] : memref<512xf32, #tpu.memory_space<vmem>> -> memref<128xf32, #tpu.memory_space<vmem>>
    tpu.wait_dma2 semaphore(%arg8 : memref<!tpu.dma_semaphore, #tpu.memory_space<semaphore_mem>>) src(%dma_wait3A_202 : memref<128xf32, #tpu.memory_space<vmem>>) dst(%dma_wait3A_200 : memref<128xf32, #tpu.memory_space<hbm>>)
    %dma_wait3A_203 = arith.constant 384 : i32
    %dma_wait3A_204 = tpu.memref_slice %arg6[%dma_wait3A_203] : memref<512xf32, #tpu.memory_space<vmem>> -> memref<128xf32, #tpu.memory_space<vmem>>
    %dma_wait3A_205 = tpu.memref_slice %arg4[%add3A_178] : memref<16384xf32, #tpu.memory_space<hbm>> -> memref<128xf32, #tpu.memory_space<hbm>>
    %dma_wait3A_206 = tpu.memref_slice %arg4[%add3A_178] : memref<16384xf32, #tpu.memory_space<hbm>> -> memref<128xf32, #tpu.memory_space<hbm>>
    %dma_wait3A_207 = arith.constant 384 : i32
    %dma_wait3A_208 = tpu.memref_slice %arg6[%dma_wait3A_207] : memref<512xf32, #tpu.memory_space<vmem>> -> memref<128xf32, #tpu.memory_space<vmem>>
    tpu.wait_dma2 semaphore(%arg8 : memref<!tpu.dma_semaphore, #tpu.memory_space<semaphore_mem>>) src(%dma_wait3A_208 : memref<128xf32, #tpu.memory_space<vmem>>) dst(%dma_wait3A_206 : memref<128xf32, #tpu.memory_space<hbm>>)
    return
  }
}

module attributes {stable_mosaic.version = 14 : i64} {
  func.func @_mv_body(%arg0: i32, %arg1: memref<100x8192xf32, #tpu.memory_space<vmem>>, %arg2: memref<1x100xf32, #tpu.memory_space<vmem>>, %arg3: memref<1xf32, #tpu.memory_space<smem>>, %arg4: memref<1x8192xf32, #tpu.memory_space<vmem>>) attributes {dimension_semantics = [#tpu.dimension_semantics<arbitrary>], iteration_bounds = array<i64: 2>, scalar_prefetch = 0 : i64, scratch_operands = 0 : i64, tpu.core_type = #tpu.core_type<tc>, window_params = [{transform_indices = @transform_0, window_bounds = array<i64: 100, 8192>}, {pipeline_mode = #tpu.pipeline_mode<synchronous>, transform_indices = @transform_1, window_bounds = array<i64: 1, 100>}, {transform_indices = @transform_2, window_bounds = array<i64: 1>}, {transform_indices = @transform_3, window_bounds = array<i64: 1, 8192>}]} {
    %get3A = arith.constant 0 : index
    %get3A_0 = arith.constant 0 : index
    %get3A_1 = vector.load %arg2[%get3A, %get3A_0] : memref<1x100xf32, #tpu.memory_space<vmem>>, vector<1x100xf32>
    %get3A_2 = arith.constant 0 : index
    %get3A_3 = arith.constant 0 : index
    %get3A_4 = vector.load %arg1[%get3A_2, %get3A_3] : memref<100x8192xf32, #tpu.memory_space<vmem>>, vector<100x8192xf32>
    %dot_general3A = arith.constant dense<0.000000e+00> : vector<1x8192xf32>
    %dot_general3A_5 = tpu.matmul %get3A_1, %get3A_4, %dot_general3A {dimension_numbers = #tpu.dot_dimension_numbers<[1], [0], [0], [1], [0, 0, 1, 1], [], []>, transpose_lhs_hint = false} : vector<1x100xf32>, vector<100x8192xf32>, vector<1x8192xf32> -> vector<1x8192xf32>
    %get3A_6 = arith.constant 0 : index
    %get3A_7 = memref.load %arg3[%get3A_6] : memref<1xf32, #tpu.memory_space<smem>>
    %add3A = vector.broadcast %get3A_7 : f32 to vector<1x8192xf32>
    %add3A_8 = arith.addf %dot_general3A_5, %add3A : vector<1x8192xf32>
    %swap3A = arith.constant 0 : index
    %swap3A_9 = arith.constant 0 : index
    %swap3A_10 = vector.load %arg4[%swap3A, %swap3A_9] : memref<1x8192xf32, #tpu.memory_space<vmem>>, vector<1x8192xf32>
    tpu.vector_store %arg4[%swap3A, %swap3A_9], %add3A_8 {strides = array<i32>} : memref<1x8192xf32, #tpu.memory_space<vmem>>, vector<1x8192xf32>,
    return
  }
  func.func @transform_0(%arg0: i32) -> (i32, i32) {
    %c0_i32 = arith.constant 0 : i32
    %c0_i32_0 = arith.constant 0 : i32
    return %c0_i32, %arg0 : i32, i32
  }
  func.func @transform_1(%arg0: i32) -> (i32, i32) {
    %c0_i32 = arith.constant 0 : i32
    %c0_i32_0 = arith.constant 0 : i32
    %c0_i32_1 = arith.constant 0 : i32
    return %c0_i32, %c0_i32_0 : i32, i32
  }
  func.func @transform_2(%arg0: i32) -> i32 {
    %c0_i32 = arith.constant 0 : i32
    %c0_i32_0 = arith.constant 0 : i32
    return %c0_i32 : i32
  }
  func.func @transform_3(%arg0: i32) -> (i32, i32) {
    %c0_i32 = arith.constant 0 : i32
    %c0_i32_0 = arith.constant 0 : i32
    return %c0_i32, %arg0 : i32, i32
  }
}

module attributes {stable_mosaic.version = 14 : i64} {
  func.func @_add_body(%arg0: memref<1x16384xf32, #tpu.memory_space<vmem>>, %arg1: memref<1x16384xf32, #tpu.memory_space<vmem>>, %arg2: memref<1x16384xf32, #tpu.memory_space<vmem>>) attributes {dimension_semantics = [], scalar_prefetch = 0 : i64, scratch_operands = 0 : i64, tpu.core_type = #tpu.core_type<tc>} {
    %get3A = arith.constant 0 : index
    %get3A_0 = arith.constant 0 : index
    %get3A_1 = vector.load %arg0[%get3A, %get3A_0] : memref<1x16384xf32, #tpu.memory_space<vmem>>, vector<1x16384xf32>
    %get3A_2 = arith.constant 0 : index
    %get3A_3 = arith.constant 0 : index
    %get3A_4 = vector.load %arg1[%get3A_2, %get3A_3] : memref<1x16384xf32, #tpu.memory_space<vmem>>, vector<1x16384xf32>
    %add3A = arith.addf %get3A_1, %get3A_4 : vector<1x16384xf32>
    %swap3A = arith.constant 0 : index
    %swap3A_5 = arith.constant 0 : index
    %swap3A_6 = vector.load %arg2[%swap3A, %swap3A_5] : memref<1x16384xf32, #tpu.memory_space<vmem>>, vector<1x16384xf32>
    tpu.vector_store %arg2[%swap3A, %swap3A_5], %add3A {strides = array<i32>} : memref<1x16384xf32, #tpu.memory_space<vmem>>, vector<1x16384xf32>,
    return
  }
}

</mosaic_0001>

<sc_bundles>
// kernel: kernel.5.cloned.1.call-start
scs
__scs_entry_jumppad:
0x0: {  	(pc) =	sbr.rel $0x88, $3  }
0x1: {  	(tag) =	ssettag $0x0;
	lr =	simm.s32 $0x1  }
0x2: {  	[smem:$0x3F9C] =	sst lr;
	_ =	strace $0xD0000000  }
0x3: {  	_ = 	snop  }
0x4: {  	_ = 	snop  }
0x5: {  	_ = 	snop  }
0x6: {  	_ = 	snop  }
0x7: {  	_ = 	snop  }
__scs_overlays_trampoline_lowered:
0x8: {  	[smem:$0x3FAB] =	sst s0  }
0x9: {  	[smem:$0x3FAC] =	sst s1  }
0xa: {  	[smem:$0x3FAD] =	sst s2  }
0xb: {  	[smem:$0x3FAE] =	sst s3  }
0xc: {  	[smem:$0x3FAF] =	sst s4  }
0xd: {  	[smem:$0x3FB0] =	sst s5  }
0xe: {  	[smem:$0x3FB1] =	sst s6  }
0xf: {  	[smem:$0x3FB2] =	sst s7  }
0x10: {  	[smem:$0x3FB3] =	sst s8  }
0x11: {  	[smem:$0x3FB4] =	sst s9;
	s0 =	simm.s32 @!p0 $0x0  }
0x12: {  	s1 =	sld [smem:$0x3F9A];
	s0 =	simm.s32 @p0 $0x1  }
0x13: {  	[smem:$0x3FB5] =	sst s0;
	s0 =	simm.s32 @!p1 $0x0  }
0x14: {  	s2 =	sld [smem:$0x3F99];
	s0 =	simm.s32 @p1 $0x1  }
0x15: {  	[smem:$0x3FB6] =	sst s0;
	s0 =	simm.s32 @!p2 $0x0  }
0x16: {  	s3 =	sld [smem:$0x3FDB];
	s0 =	simm.s32 @p2 $0x1  }
0x17: {  	s4 =	simm.s32 $0x1BF5;
	[smem:$0x3FB8] =	sst s0  }
0x18: {  	s0 =	sld [smem:$0x3F9B];
	_ =	swait.ge [sflag:s4], $0x0  }
0x19: {  	s7 =	sld [smem:$0x3F9C]  }
0x1a: {  	s8 =	sadd.s32 $0xFFFFE003, lr  }
0x1b: {  	s9 =	sadd.s32 $0xFFFFFEF7, lr;
	s5 =	simm.s32 $0xFFFFFFFF;
	p2 =	slt.u32 s8, $0xFFFFF086  }
0x1c: {  	p1 =	slt.u32 s9, $0xF7A;
	s5 =	simm.s32 @!p2 $0x0  }
0x1d: {  	s5 =	simm.s32 @p1 $0x1;
	p0 =	seq.s32 s7, s2  }
0x1e: {  	s7 =	smul.u32 @!p0 $0xF7A, s2;
	p2 =	seq.s32 @!p0 s5, $0x0  }
0x1f: {  	s9 =	smul.u32 $0xF7A, s1;
	s8 =	simm.s32 @!p0 $0x1BF5;
	p2 =	por !p2, p0  }
0x20: {  	[sflag:s8] =	ssyncset.s32 @!p0 $0xFFFFF086;
	s6 =	sadd.s32 @!p0 s3, s7;
	s7 =	simm.s32 @!p0 $0x108  }
0x21: {  	s3 =	sadd.s32 s3, s9;
	s6 =	sadd.s32 @!p0 $0x88, s6;
	s7 =	simm.s32 @p2 $0x1082  }
0x22: {  	[simem:s7], [sflag:s8] =	dma.local @!p0 [hbm:s6], $0xF7A  }
0x23: {  	s9 =	sor.u32 $0xD0000000, s2;
	s6 =	simm.s32 $0x108;
	_ =	swait.ge @!p0 [sflag:s8], $0x0  }
0x24: {  	s3 =	sadd.s32 $0x88, s3;
	s6 =	simm.s32 @!p1 $0x1082;
	[sflag:s4] =	ssyncset.s32 $0xFFFFF086  }
0x25: {  	[simem:s6], [sflag:s4] =	dma.local [hbm:s3], $0xF7A  }
0x26: {  	[smem:$0x3F9C] =	sst s1;
	(tag) =	ssettag s2;
	_ =	strace s9  }
0x27: {  	s1 =	sld [smem:$0x3FAC]  }
0x28: {  	s2 =	sld [smem:$0x3FAD]  }
0x29: {  	s4 =	sld [smem:$0x3FAF]  }
0x2a: {  	p0 =	seq.s32 s5, $0x0;
	s5 =	sld [smem:$0x3FB0]  }
0x2b: {  	s6 =	sld [smem:$0x3FB1]  }
0x2c: {  	s7 =	sld [smem:$0x3FB2]  }
0x2d: {  	s3 =	simm.s32 $0x108;
	s8 =	sld [smem:$0x3FB3]  }
0x2e: {  	s3 =	simm.s32 @!p0 $0x1082;
	s9 =	sld [smem:$0x3FB4]  }
0x2f: {  	lr =	sadd.s32 s0, s3;
	s0 =	sld [smem:$0x3FAB]  }
0x30: {  	s3 =	sld [smem:$0x3FAE]  }
0x31: {  	[smem:$0x3FB7] =	sst s10  }
0x32: {  	s10 =	sld [smem:$0x3FB5];
	_ =	sdelay $0x3  }
0x33: {  	p0 =	seq.s32 s10, $0x1;
	s10 =	sld [smem:$0x3FB7];
	_ =	sdelay $0x3  }
0x34: {  	[smem:$0x3FB7] =	sst s10  }
0x35: {  	s10 =	sld [smem:$0x3FB6];
	_ =	sdelay $0x3  }
0x36: {  	p1 =	seq.s32 s10, $0x1;
	s10 =	sld [smem:$0x3FB7];
	_ =	sdelay $0x3  }
0x37: {  	[smem:$0x3FB7] =	sst s10  }
0x38: {  	s10 =	sld [smem:$0x3FB8]  }
0x39: {  	_ = 	snop;
	(pc) =	sbr.ind lr, $3  }
0x3a: {  	_ = 	snop  }
0x3b: {  	_ = 	snop  }
0x3c: {  	p2 =	seq.s32 s10, $0x1;
	s10 =	sld [smem:$0x3FB7]  }
0x3d: {  	_ =	shalt  }
0x3e: {  	_ =	shalt  }
0x3f: {  	_ =	shalt  }
0x40: {  	_ =	shalt  }
0x41: {  	_ =	shalt  }
0x42: {  	_ =	shalt  }
0x43: {  	_ =	shalt  }
0x44: {  	_ =	shalt  }
0x45: {  	_ =	shalt  }
0x46: {  	_ =	shalt  }
0x47: {  	_ =	shalt  }
0x48: {  	_ =	shalt  }
0x49: {  	_ =	shalt  }
0x4a: {  	_ =	shalt  }
0x4b: {  	_ =	shalt  }
0x4c: {  	_ =	shalt  }
0x4d: {  	_ =	shalt  }
0x4e: {  	_ =	shalt  }
0x4f: {  	_ =	shalt  }
0x50: {  	_ =	shalt  }
0x51: {  	_ =	shalt  }
0x52: {  	_ =	shalt  }
0x53: {  	_ =	shalt  }
0x54: {  	_ =	shalt  }
0x55: {  	_ =	shalt  }
0x56: {  	_ =	shalt  }
0x57: {  	_ =	shalt  }
0x58: {  	_ =	shalt  }
0x59: {  	_ =	shalt  }
0x5a: {  	_ =	shalt  }
0x5b: {  	_ =	shalt  }
0x5c: {  	_ =	shalt  }
0x5d: {  	_ =	shalt  }
0x5e: {  	_ =	shalt  }
0x5f: {  	_ =	shalt  }
0x60: {  	_ =	shalt  }
0x61: {  	_ =	shalt  }
0x62: {  	_ =	shalt  }
0x63: {  	_ =	shalt  }
0x64: {  	_ =	shalt  }
0x65: {  	_ =	shalt  }
0x66: {  	_ =	shalt  }
0x67: {  	_ =	shalt  }
0x68: {  	_ =	shalt  }
0x69: {  	_ =	shalt  }
0x6a: {  	_ =	shalt  }
0x6b: {  	_ =	shalt  }
0x6c: {  	_ =	shalt  }
0x6d: {  	_ =	shalt  }
0x6e: {  	_ =	shalt  }
0x6f: {  	_ =	shalt  }
0x70: {  	_ =	shalt  }
0x71: {  	_ =	shalt  }
0x72: {  	_ =	shalt  }
0x73: {  	_ =	shalt  }
0x74: {  	_ =	shalt  }
0x75: {  	_ =	shalt  }
0x76: {  	_ =	shalt  }
0x77: {  	_ =	shalt  }
0x78: {  	_ =	shalt  }
0x79: {  	_ =	shalt  }
0x7a: {  	_ =	shalt  }
0x7b: {  	_ =	shalt  }
0x7c: {  	_ =	shalt  }
0x7d: {  	_ =	shalt  }
0x7e: {  	_ =	shalt  }
0x7f: {  	_ =	shalt  }
0x80: {  	_ =	shalt  }
0x81: {  	_ =	shalt  }
0x82: {  	_ =	shalt  }
0x83: {  	_ =	shalt  }
0x84: {  	_ =	shalt  }
0x85: {  	_ =	shalt  }
0x86: {  	_ =	shalt  }
0x87: {  	_ =	shalt  }
.Lfunc_end0:
.L_simem_size_0:
called_computation_lowered:
.L_overlay_start_0:
0x88: {  	s2 =	sld [smem:$0x3FD9]  }
0x89: {  	s3 =	sld [smem:$0x3FFE];
	_ =	sdelay $0x1  }
0x8a: {  	s1 =	srdreg.scid  }
0x8b: {  	s0 =	sand.u32 $0x1, s1  }
0x8c: {  	s17 =	sshll.u32 s0, $0xA;
	s2 =	sadd.s32 s3, s2  }
0x8d: {  	s2 =	sadd.s32 s2, s17  }
0x8e: {  	[smem:$0x3FC3] =	sst s2  }
0x8f: {  	_ = 	snop  }
0x90: {  	s2 =	sld [smem:$0x3FC8]  }
0x91: {  	s18 =	sld [smem:$0x3FC5];
	(tm) =	ssettm $0x1  }
0x92: {  	s4 =	sld [smem:$0x3FFB];
	_ =	sdelay $0x3  }
0x93: {  	_ =	strace s4  }
0x94: {  	s4 =	sld [smem:$0x3FFC];
	_ =	sdelay $0x3  }
0x95: {  	_ =	strace s4  }
0x96: {  	s4 =	sld [smem:$0x3FFD];
	_ =	sdelay $0x3  }
0x97: {  	_ =	strace s4  }
0x98: {  	_ =	strace $0x8FFFFFFF  }
0x99: {  	s19 =	sld [smem:$0x3FDB];
	_ =	sdelay $0x1  }
0x9a: {  	s5 =	simm.s32 $_scs_section_size  }
0x9b: {  	s6 =	simm.s32 $_size__tile_overlayer_lowered;
	s7 =	simm.s32 $_tile_overlayer_lowered  }
0x9c: {  	s22 =	simm.s32 $0x1BFF;
	s21 =	sshll.u32 s7, $0x1;
	s4 =	sadd.s32 s5, s19  }
0x9d: {  	s8 =	simm.s32 $0x0;
	s20 =	sshll.u32 s6, $0x1;
	s6 =	sadd.s32 s21, s4  }
0x9e: {  	[timem:s8], [sflag:s22] =	dma.local [hbm:s6], s20  }
0x9f: {  	_ =	swait.ge [sflag:s22], s20  }
0xa0: {  	s5 =	ssub.s32 $0x0, s20;
	[sflag:s22] =	ssyncset.done $0x0  }
0xa1: {  	[sflag:s22] =	ssyncadd.s32 s5;
	_ =	sdelay $0x1  }
0xa2: {  	s23 =	simm.s32 $0x1B8B  }
0xa3: {  	_ =	swait.ge [sflag:s23], $0x1  }
0xa4: {  	[sflag:s23] =	ssyncset.done $0x0  }
0xa5: {  	s25 =	simm.s32 $0x1B8E;
	s24 =	sld [smem:$0x3FFE];
	[sflag:s23] =	ssyncadd.s32 $0xFFFFFFFF  }
0xa6: {  	s26 =	simm.s32 $execute0_lowered;
	[smem:$0x3FD2] =	sst s25  }
0xa7: {  	s6 =	sshll.u32 s26, $0x1;
	_ =	strace $0x80000046;
	[dreg:$0x1] =	wrdreg $0xFFFFFFFF  }
0xa8: {  	s28 =	simm.s32 $_size_execute0_lowered;
	s4 =	sadd.s32 s4, s6;
	[dreg:$0x0] =	wrdreg $0x0  }
0xa9: {  	s6 =	sshll.u32 s28, $0x1;
	[dreg:$0x2] =	wrdreg s4  }
0xaa: {  	[dreg:$0x3] =	wrdreg s6  }
0xab: {  	[dreg:$0x4] =	wrdreg $0xC0  }
0xac: {  	_ =	task [dreg:s8], $0x5FFFF  }
0xad: {  	[dreg:$0x1] =	wrdreg $0xFFFFFFFF  }
0xae: {  	[dreg:$0x0] =	wrdreg $0x60  }
0xaf: {  	[dreg:$0x2] =	wrdreg s2  }
0xb0: {  	[dreg:$0x3] =	wrdreg s18  }
0xb1: {  	[dreg:$0x4] =	wrdreg s24  }
0xb2: {  	[dreg:$0x5] =	wrdreg $0x9  }
0xb3: {  	_ =	task.clear_ibuf [dreg:s8], $0x6FFFF;
	_ =	strace $0x90000046  }
0xb4: {  	s29 =	simm.s32 $0x9;
	_ =	strace $0x80000048  }
0xb5: {  	_ =	swait.ge [sflag:s29], $0x1  }
0xb6: {  	[sflag:s29] =	ssyncadd.s32 $0xFFFFFFFF  }
0xb7: {  	_ =	strace $0x90000048  }
0xb8: {  	_ =	sfence  }
0xb9: {  	s30 =	sld [smem:$0x0];
	_ =	sdelay $0x2  }
0xba: {  	s31 =	sshll.u32 s1, $0xD;
	s1 =	sshrl.u32 s1, $0x2  }
0xbb: {  	s3 =	sand.u32 $0x4000, s31;
	s1 =	sadd.s32 s1, s30  }
0xbc: {  	s0 =	sor.u32 s3, s0;
	s1 =	sshll.u32 s1, $0x11  }
0xbd: {  	s0 =	sor.u32 s1, s0  }
0xbe: {  	s0 =	sadd.s32 $0x8F2B, s0  }
0xbf: {  	[sflag:s0] =	ssyncadd.remote.s32 $0x1  }
0xc0: {  	_ =	sfence.sel $0xFFFF  }
0xc1: {  	[dreg:$0x0] =	wrdreg $0xFFFFFFFF;
	(pc) =	sbr.abs _section_cstart, $3  }
0xc2: {  	[dreg:$0x1] =	wrdreg $0xFFFFFFFF  }
0xc3: {  	_ =	task.clear_ibuf [dreg:s8], $0x2FFFF;
	_ =	strace $0x9FFFFFFF  }
0xc4: {  	(tm) =	ssettm $0x7FFFFFFF  }
0xc5: {  	_ =	shalt  }
tec
execute0_lowered:
.L_overlay_start_1:
0x0: {  	(tag) =	ssettag $0x1  }
0x1: {  	s9 =	rddreg [dreg:$0x0]  }
0x2: {  	s2 =	rddreg [dreg:$0x1]  }
0x3: {  	s19 =	rddreg [dreg:$0x2];
	s3 =	srdreg.scid  }
0x4: {  	s0 =	rddreg [dreg:$0x3];
	s1 =	stileid.u32;
	s24 =	sand.u32 $0x1, s3  }
0x5: {  	s3 =	simm.s32 $0x0;
	s5 =	sshll.u32 s1, $0x6;
	s4 =	sshll.u32 s24, $0xA  }
0x6: {  	[smem:$0x7FF] =	sst s3;
	s20 =	sor.u32 s5, s4  }
0x7: {  	_ =	strace $0x80000047;
	s4 =	sadd.s32 s9, s20;
	s21 =	sor.u32 $0x10, s20  }
0x8: {  	[tilespmem:s3], [sflag:$0x1] =	stream.linear.gather [hbm4b:s4+s3], $0x80, $0x38;
	[tilespmem:$0x400] =	vst v63  }
0x9: {  	s6 =	simm.s32 $0x80;
	s22 =	sor.u32 $0x20, s20;
	s5 =	sadd.s32 s9, s21  }
0xa: {  	[tilespmem:s6], [sflag:$0x2] =	stream.linear.gather [hbm4b:s5+s3], $0x80, $0x38;
	[tilespmem:$0x400] =	vst v63  }
0xb: {  	s8 =	simm.s32 $0x100;
	s23 =	sor.u32 $0x30, s20;
	s7 =	sadd.s32 s9, s22  }
0xc: {  	[tilespmem:s8], [sflag:$0x3] =	stream.linear.gather [hbm4b:s7+s3], $0x80, $0x38;
	[tilespmem:$0x400] =	vst v63  }
0xd: {  	s10 =	simm.s32 $0x180;
	s11 =	simm.s32 $0x1;
	s9 =	sadd.s32 s9, s23  }
0xe: {  	[tilespmem:s10], [sflag:$0x4] =	stream.linear.gather [hbm4b:s9+s3], $0x80, $0x38;
	[tilespmem:$0x400] =	vst v63  }
0xf: {  	_ =	swait.ge [sflag:s11], $0x80  }
0x10: {  	[sflag:s11] =	ssyncset.done $0x0  }
0x11: {  	s12 =	simm.s32 $0x200;
	s13 =	simm.s32 $0x2;
	[sflag:s11] =	ssyncadd.s32 $0xFFFFFF80  }
0x12: {  	[tilespmem:s12], [sflag:$0x1] =	stream.indirect.gather [hbm4b:s2+s6], $0x1, s3, s6, $0xb8;
	[tilespmem:$0x400] =	vst v63  }
0x13: {  	_ =	swait.ge [sflag:s13], $0x80  }
0x14: {  	[sflag:s13] =	ssyncset.done $0x0  }
0x15: {  	s14 =	simm.s32 $0x280;
	s15 =	simm.s32 $0x3;
	[sflag:s13] =	ssyncadd.s32 $0xFFFFFF80  }
0x16: {  	[tilespmem:s14], [sflag:$0x2] =	stream.indirect.gather [hbm4b:s2+s6], $0x1, s6, s6, $0xb8;
	[tilespmem:$0x400] =	vst v63  }
0x17: {  	_ =	swait.ge [sflag:s15], $0x80  }
0x18: {  	[sflag:s15] =	ssyncset.done $0x0  }
0x19: {  	s16 =	simm.s32 $0x300;
	s17 =	simm.s32 $0x4;
	[sflag:s15] =	ssyncadd.s32 $0xFFFFFF80  }
0x1a: {  	[tilespmem:s16], [sflag:$0x3] =	stream.indirect.gather [hbm4b:s2+s6], $0x1, s8, s6, $0xb8;
	[tilespmem:$0x400] =	vst v63  }
0x1b: {  	_ =	swait.ge [sflag:s17], $0x80  }
0x1c: {  	[sflag:s17] =	ssyncset.done $0x0  }
0x1d: {  	s18 =	simm.s32 $0x380;
	[sflag:s17] =	ssyncadd.s32 $0xFFFFFF80  }
0x1e: {  	[tilespmem:s18], [sflag:$0x4] =	stream.indirect.gather [hbm4b:s2+s6], $0x1, s10, s6, $0xb8;
	[tilespmem:$0x400] =	vst v63  }
0x1f: {  	_ =	swait.ge [sflag:s11], $0x80  }
0x20: {  	s25 =	sadd.s32 $0x1000, s19;
	[sflag:s11] =	ssyncset.done $0x0  }
0x21: {  	s19 =	sadd.s32 s25, s20;
	[sflag:s11] =	ssyncadd.s32 $0xFFFFFF80  }
0x22: {  	[hbm4b:s19+s3] =	stream.linear.scatter [tilespmem:s12], [sflag:$0x5], $0x80, $0x38;
	[tilespmem:$0x400] =	vst v63  }
0x23: {  	_ =	swait.ge [sflag:s13], $0x80  }
0x24: {  	[sflag:s13] =	ssyncset.done $0x0  }
0x25: {  	s20 =	sadd.s32 s25, s21;
	[sflag:s13] =	ssyncadd.s32 $0xFFFFFF80  }
0x26: {  	[hbm4b:s20+s3] =	stream.linear.scatter [tilespmem:s14], [sflag:$0x5], $0x80, $0x38;
	[tilespmem:$0x400] =	vst v63  }
0x27: {  	_ =	swait.ge [sflag:s15], $0x80  }
0x28: {  	[sflag:s15] =	ssyncset.done $0x0  }
0x29: {  	s21 =	sadd.s32 s25, s22;
	[sflag:s15] =	ssyncadd.s32 $0xFFFFFF80  }
0x2a: {  	[hbm4b:s21+s3] =	stream.linear.scatter [tilespmem:s16], [sflag:$0x5], $0x80, $0x38;
	[tilespmem:$0x400] =	vst v63  }
0x2b: {  	_ =	swait.ge [sflag:s17], $0x80  }
0x2c: {  	[sflag:s17] =	ssyncset.done $0x0  }
0x2d: {  	s23 =	sadd.s32 s25, s23;
	s22 =	simm.s32 $0x5;
	[sflag:s17] =	ssyncadd.s32 $0xFFFFFF80  }
0x2e: {  	[hbm4b:s23+s3] =	stream.linear.scatter [tilespmem:s18], [sflag:$0x5], $0x80, $0x38;
	[tilespmem:$0x400] =	vst v63  }
0x2f: {  	_ =	swait.ge [sflag:s22], $0x80  }
0x30: {  	s24 =	ssub.s32 $0x2, s24;
	[sflag:s22] =	ssyncset.done $0x0  }
0x31: {  	s31 =	sshrl.u32 s24, $0x1;
	[sflag:s22] =	ssyncadd.s32 $0xFFFFFF80  }
0x32: {  	s24 =	ssub.s32 s24, s31;
	_ =	swait.ge [sflag:s22], $0x80  }
0x33: {  	s24 =	smax.u32 s24, $0x1;
	[sflag:s22] =	ssyncset.done $0x0  }
0x34: {  	p0 =	sne.s32 s24, $0x1;
	[sflag:s22] =	ssyncadd.s32 $0xFFFFFF80  }
.Ltmp0:
0x35: {  	_ =	swait.ge [sflag:s22], $0x80;
	(pc) =	sbr.rel @!p0 .LBB2_2-.Ltmp0, $4  }
0x36: {  	[sflag:s22] =	ssyncset.done $0x0  }
0x37: {  	[sflag:s22] =	ssyncadd.s32 $0xFFFFFF80  }
0x38: {  	_ =	swait.ge [sflag:s22], $0x80  }
0x39: {  	s24 =	sadd.s32 $0xFFFFFFFF, s24;
	[sflag:s22] =	ssyncset.done $0x0  }
.LBB2_1:
0x3a: {  	p0 =	sne.s32 s24, $0x1;
	s24 =	sadd.s32 $0xFFFFFFFF, s24;
	[sflag:s22] =	ssyncadd.s32 $0xFFFFFF80  }
0x3b: {  	[tilespmem:s3], [sflag:$0x1] =	stream.linear.gather [hbm4b:s4+s3], $0x80, $0x38;
	[tilespmem:$0x400] =	vst v63  }
0x3c: {  	_ = 	snop  }
0x3d: {  	[tilespmem:s6], [sflag:$0x2] =	stream.linear.gather [hbm4b:s5+s3], $0x80, $0x38;
	[tilespmem:$0x400] =	vst v63  }
0x3e: {  	_ = 	snop  }
0x3f: {  	[tilespmem:s8], [sflag:$0x3] =	stream.linear.gather [hbm4b:s7+s3], $0x80, $0x38;
	[tilespmem:$0x400] =	vst v63  }
0x40: {  	_ = 	snop  }
0x41: {  	[tilespmem:s10], [sflag:$0x4] =	stream.linear.gather [hbm4b:s9+s3], $0x80, $0x38;
	[tilespmem:$0x400] =	vst v63  }
0x42: {  	_ =	swait.ge [sflag:s11], $0x80  }
0x43: {  	[sflag:s11] =	ssyncset.done $0x0  }
0x44: {  	[sflag:s11] =	ssyncadd.s32 $0xFFFFFF80  }
0x45: {  	[tilespmem:s12], [sflag:$0x1] =	stream.indirect.gather [hbm4b:s2+s6], $0x1, s3, s6, $0xb8;
	[tilespmem:$0x400] =	vst v63  }
0x46: {  	_ =	swait.ge [sflag:s13], $0x80  }
0x47: {  	[sflag:s13] =	ssyncset.done $0x0  }
0x48: {  	[sflag:s13] =	ssyncadd.s32 $0xFFFFFF80  }
0x49: {  	[tilespmem:s14], [sflag:$0x2] =	stream.indirect.gather [hbm4b:s2+s6], $0x1, s6, s6, $0xb8;
	[tilespmem:$0x400] =	vst v63  }
0x4a: {  	_ =	swait.ge [sflag:s15], $0x80  }
0x4b: {  	[sflag:s15] =	ssyncset.done $0x0  }
0x4c: {  	[sflag:s15] =	ssyncadd.s32 $0xFFFFFF80  }
0x4d: {  	[tilespmem:s16], [sflag:$0x3] =	stream.indirect.gather [hbm4b:s2+s6], $0x1, s8, s6, $0xb8;
	[tilespmem:$0x400] =	vst v63  }
0x4e: {  	_ =	swait.ge [sflag:s17], $0x80  }
0x4f: {  	[sflag:s17] =	ssyncset.done $0x0  }
0x50: {  	[sflag:s17] =	ssyncadd.s32 $0xFFFFFF80  }
0x51: {  	[tilespmem:s18], [sflag:$0x4] =	stream.indirect.gather [hbm4b:s2+s6], $0x1, s10, s6, $0xb8;
	[tilespmem:$0x400] =	vst v63  }
0x52: {  	_ =	swait.ge [sflag:s11], $0x80  }
0x53: {  	[sflag:s11] =	ssyncset.done $0x0  }
0x54: {  	[sflag:s11] =	ssyncadd.s32 $0xFFFFFF80  }
0x55: {  	[hbm4b:s19+s3] =	stream.linear.scatter [tilespmem:s12], [sflag:$0x5], $0x80, $0x38;
	[tilespmem:$0x400] =	vst v63  }
0x56: {  	_ =	swait.ge [sflag:s13], $0x80  }
0x57: {  	[sflag:s13] =	ssyncset.done $0x0  }
0x58: {  	[sflag:s13] =	ssyncadd.s32 $0xFFFFFF80  }
0x59: {  	[hbm4b:s20+s3] =	stream.linear.scatter [tilespmem:s14], [sflag:$0x5], $0x80, $0x38;
	[tilespmem:$0x400] =	vst v63  }
0x5a: {  	_ =	swait.ge [sflag:s15], $0x80  }
0x5b: {  	[sflag:s15] =	ssyncset.done $0x0  }
0x5c: {  	[sflag:s15] =	ssyncadd.s32 $0xFFFFFF80  }
0x5d: {  	[hbm4b:s21+s3] =	stream.linear.scatter [tilespmem:s16], [sflag:$0x5], $0x80, $0x38;
	[tilespmem:$0x400] =	vst v63  }
0x5e: {  	_ =	swait.ge [sflag:s17], $0x80  }
0x5f: {  	[sflag:s17] =	ssyncset.done $0x0  }
0x60: {  	[sflag:s17] =	ssyncadd.s32 $0xFFFFFF80  }
0x61: {  	[hbm4b:s23+s3] =	stream.linear.scatter [tilespmem:s18], [sflag:$0x5], $0x80, $0x38;
	[tilespmem:$0x400] =	vst v63  }
0x62: {  	_ =	swait.ge [sflag:s22], $0x80  }
0x63: {  	[sflag:s22] =	ssyncset.done $0x0  }
0x64: {  	[sflag:s22] =	ssyncadd.s32 $0xFFFFFF80  }
0x65: {  	_ =	swait.ge [sflag:s22], $0x80  }
0x66: {  	[sflag:s22] =	ssyncset.done $0x0  }
0x67: {  	[sflag:s22] =	ssyncadd.s32 $0xFFFFFF80  }
.Ltmp1:
0x68: {  	_ =	swait.ge [sflag:s22], $0x80;
	(pc) =	sbr.rel @p0 .LBB2_1-.Ltmp1, $4  }
0x69: {  	[sflag:s22] =	ssyncset.done $0x0  }
0x6a: {  	[sflag:s22] =	ssyncadd.s32 $0xFFFFFF80  }
0x6b: {  	_ =	swait.ge [sflag:s22], $0x80  }
0x6c: {  	[sflag:s22] =	ssyncset.done $0x0  }
.LBB2_2:
0x6d: {  	[sflag:s22] =	ssyncadd.s32 $0xFFFFFF80  }
0x6e: {  	_ =	sfence.sel $0x180000  }
0x6f: {  	[bflag:$0x0] =	sbarrier.arrive $0xFFFF  }
0x70: {  	p0 =	sne.s32 s1, $0x0;
	_ =	strace $0x90000047  }
0x71: {  	s0 =	sadd.s32 @!p0 $0x100000, s0;
	[bflag:$0x2] =	sbarrier.arrive $0xFFFF  }
0x72: {  	[sflag:s0] =	ssyncadd.tile.s32 @!p0 $0x1;
	_ =	shalt  }
.Lfunc_end2:
_tile_overlayer_lowered:
.L_overlay_start_2:
0x73: {  	(tag) =	ssettag $0x2  }
0x74: {  	s0 =	rddreg [dreg:$0x0];
	s2 =	stileid.u32  }
0x75: {  	s1 =	rddreg [dreg:$0x1];
	p0 =	sne.s32 s2, $0x0  }
0x76: {  	s3 =	rddreg [dreg:$0x2];
	[bflag:$0x3] =	sbarrier.arrive $0xFFFF;
	s2 =	simm.s32 @!p0 $0x1C06  }
0x77: {  	[timem:s3], [sflag:s2] =	dma.local @!p0 [hbm:s0], s1  }
0x78: {  	s0 =	simm.s32 @!p0 $0x6  }
0x79: {  	_ =	swait.ge @!p0 [sflag:s0], s1  }
0x7a: {  	s1 =	ssub.s32 @!p0 $0x0, s1;
	[sflag:s0] =	ssyncset.done @!p0 $0x0  }
0x7b: {  	[sflag:s0] =	ssyncadd.s32 @!p0 s1  }
0x7c: {  	[bflag:$0x3] =	sbarrier.arrive $0xFFFF  }
0x7d: {  	_ =	shalt  }

</sc_bundles>
